<compile_context>
chip_gen: v7x
topology: tpu7x:2x2x1
jax: 0.10.2.dev20260603
libtpu: 0.0.44.dev20260713+nightly
codegen_flags: <defaults>
</compile_context>

<pallas_src>
import functools

import jax
import jax.numpy as jnp
from jax import lax
from jax.experimental import pallas as pl
from jax.experimental.pallas import tpu as pltpu
from jax.experimental.pallas import tpu_sc as plsc




def _proj_body(tt_ref, w_ref, out_ref):
    out_ref[...] = lax.dot_general(
        tt_ref[...],
        w_ref[...],
        (((0,), (0,)), ((), ())),
        preferred_element_type=jnp.float32,
    )


def _tc_project(tableT, WT, BW=4096):
    D, V = tableT.shape
    E = WT.shape[1]
    grid = (pl.cdiv(V, BW),)
    return pl.pallas_call(
        _proj_body,
        grid=grid,
        in_specs=[
            pl.BlockSpec((D, BW), lambda g: (0, g)),
            pl.BlockSpec((D, E), lambda g: (0, 0)),
        ],
        out_specs=pl.BlockSpec((BW, E), lambda g: (g, 0)),
        out_shape=jax.ShapeDtypeStruct((V, E), jnp.float32),
        compiler_params=pltpu.CompilerParams(
            fuse_transposed_lhs_in_matmul=True
        ),
    )(tableT, WT)




def _sc_gather(N, V, E):
    NW = 32
    n_w = N // NW
    C = 160
    NB = 5
    n_chunks = n_w // C
    assert n_chunks >= NB
    mesh = plsc.VectorSubcoreMesh(core_axis_name="c", subcore_axis_name="s")

    @functools.partial(
        pl.kernel,
        mesh=mesh,
        compiler_params=pltpu.CompilerParams(use_tc_tiling_on_sc=False),
        out_type=jax.ShapeDtypeStruct((N, E), jnp.float32),
        scratch_types=[
            pltpu.VMEM((n_w,), jnp.int32),
            pltpu.VMEM((NB, C, E), jnp.float32),
            pltpu.SemaphoreType.DMA,
            pltpu.SemaphoreType.DMA,
        ],
    )
    def gather_kernel(idx_hbm, ptab_hbm, out_hbm, idx_v, rows_v, gsem, wsem):
        wid = lax.axis_index("s") * 2 + lax.axis_index("c")
        base = wid * n_w

        pltpu.sync_copy(idx_hbm.at[pl.ds(base, n_w)], idx_v)

        def gather_start(i):
            pltpu.async_copy(
                ptab_hbm.at[pl.ds(base + i * C, C)], rows_v.at[i % NB], gsem
            )

        def gather_wait(i):
            pltpu.make_async_copy(
                ptab_hbm.at[pl.ds(base + i * C, C)], rows_v.at[i % NB], gsem
            ).wait()

        def write_start(i):
            pltpu.async_copy(
                rows_v.at[i % NB], out_hbm.at[pl.ds(base + i * C, C)], wsem
            )

        def write_wait(i):
            pltpu.make_async_copy(
                rows_v.at[i % NB], out_hbm.at[pl.ds(base + i * C, C)], wsem
            ).wait()

        for k in range(NB - 1):
            gather_start(k)

        def body(i, carry):
            gather_wait(i)

            @pl.when(i + NB - 1 < n_chunks)
            def _():
                gather_start(i + NB - 1)

            return carry

        lax.fori_loop(0, n_chunks, body, 0)
        write_start(n_chunks - 1)
        write_wait(n_chunks - 1)

    return gather_kernel


def kernel(x, table, W_up):
    B, L = x.shape
    V, D = table.shape
    E = W_up.shape[0]
    N = B * L

    idxT = jnp.transpose(x).reshape(N)

    tableT = jnp.transpose(table)
    WT = jnp.transpose(W_up)
    ptab = _tc_project(tableT, WT)

    outT = _sc_gather(N, V, E)(idxT, ptab)

    return outT.reshape(L, B, E).transpose(1, 0, 2)

# --- scband reference (transcript-rebuilt; emitter-appended) ---
"""Pipeline reference for scband-factorized-embedding-69853348102231 (READ-ONLY COPY).

The authoritative reference and input builder live on the scoring server;
editing this copy changes nothing except your own understanding.
"""

import jax, jax.numpy as jnp
import numpy as np

NUM_EMBEDDINGS = 1000000
EMBEDDING_DIM = 128
HID_DIM = 32
PADDING_IDX = 1
BATCH = 16384
HIST = 50


def setup_inputs(seed: int = 0) -> dict:
    key = jax.random.key(seed)
    k_x, k_tab, k_up = jax.random.split(key, 3)
    x = jax.random.randint(k_x, (BATCH, HIST), 0, NUM_EMBEDDINGS, dtype=jnp.int64 if jax.config.jax_enable_x64 else jnp.int32).astype(jnp.int32)
    # embedding table, init normal with std = embedding_dim ** -0.5, padding row zeroed
    table = jax.random.normal(k_tab, (NUM_EMBEDDINGS, HID_DIM), dtype=jnp.float32) * (EMBEDDING_DIM ** -0.5)
    table = table.at[PADDING_IDX].set(0.0)
    # nn.Linear(hid_dim, embedding_dim, bias=False): weight shape [embedding_dim, hid_dim]
    bound = 1.0 / np.sqrt(HID_DIM)
    W_up = jax.random.uniform(k_up, (EMBEDDING_DIM, HID_DIM), dtype=jnp.float32, minval=-bound, maxval=bound)
    return {"x": x, "table": table, "W_up": W_up}


def reference(x, table, W_up):
    # embedding lookup into factored low-dim space (SparseCore-style gather)
    emb = jnp.take(table, x, axis=0)  # [B, L, hid_dim]
    # up-projection to full embedding_dim: y = emb @ W_up.T
    out = jnp.einsum('blh,eh->ble', emb, W_up)  # [B, L, embedding_dim]
    return out

if __name__ == "__main__":
    import jax
    _d = setup_inputs()
    print(jax.jit(kernel)(*tuple(_d.values())))

</pallas_src>

<mosaic_0001>
#map = affine_map<(d0, d1) -> (0)>
#map1 = affine_map<(d0, d1) -> (0, 0)>
module attributes {stable_mosaic.version = 14 : i64} {
  func.func @gather_kernel(%arg0: i32, %arg1: i32, %arg2: memref<819200xi32, #tpu.memory_space<hbm>>, %arg3: memref<1000000x128xf32, #tpu.memory_space<hbm>>, %arg4: memref<819200x128xf32, #tpu.memory_space<hbm>>, %arg5: memref<25600xi32, #tpu.memory_space<vmem>>, %arg6: memref<5x160x128xf32, #tpu.memory_space<vmem>>, %arg7: memref<!tpu.dma_semaphore, #tpu.memory_space<semaphore_mem>>, %arg8: memref<!tpu.dma_semaphore, #tpu.memory_space<semaphore_mem>>) attributes {dimension_semantics = [#tpu.dimension_semantics<core_parallel>, #tpu.dimension_semantics<subcore_parallel>], iteration_bounds = array<i64: 2, 16>, scalar_prefetch = 0 : i64, scratch_operands = 4 : i64, tpu.core_type = #tpu.core_type<sc_vector_subcore>, window_params = [{transform_indices = #map}, {transform_indices = #map1}, {transform_indices = #map1}]} {
    %mul3A = arith.constant 2 : i32
    %mul3A_0 = arith.muli %arg1, %mul3A : i32
    %add3A = arith.addi %mul3A_0, %arg0 : i32
    %mul3A_1 = arith.constant 25600 : i32
    %mul3A_2 = arith.muli %add3A, %mul3A_1 : i32
    "tpu.region"() ({
      %run_scoped3A = tpu.sem_alloc : memref<!tpu.dma_semaphore, #tpu.memory_space<semaphore_mem>>
      %dma_start3A_96 = tpu.memref_slice %arg2[%mul3A_2] : memref<819200xi32, #tpu.memory_space<hbm>> -> memref<25600xi32, #tpu.memory_space<hbm>>
      %dma_start3A_97 = tpu.memref_slice %arg2[%mul3A_2] : memref<819200xi32, #tpu.memory_space<hbm>> -> memref<25600xi32, #tpu.memory_space<hbm>>
      tpu.enqueue_dma source(%dma_start3A_97 : memref<25600xi32, #tpu.memory_space<hbm>>) target(%arg5 : memref<25600xi32, #tpu.memory_space<vmem>>) target_semaphore(%run_scoped3A : memref<!tpu.dma_semaphore, #tpu.memory_space<semaphore_mem>>)
      %dma_wait3A_98 = tpu.memref_slice %arg2[%mul3A_2] : memref<819200xi32, #tpu.memory_space<hbm>> -> memref<25600xi32, #tpu.memory_space<hbm>>
      %dma_wait3A_99 = tpu.memref_slice %arg2[%mul3A_2] : memref<819200xi32, #tpu.memory_space<hbm>> -> memref<25600xi32, #tpu.memory_space<hbm>>
      tpu.wait_dma2 semaphore(%run_scoped3A : memref<!tpu.dma_semaphore, #tpu.memory_space<semaphore_mem>>) src(%dma_wait3A_99 : memref<25600xi32, #tpu.memory_space<hbm>>) dst(%arg5 : memref<25600xi32, #tpu.memory_space<vmem>>)
      tpu.yield
    }) : () -> ()
    %add3A_3 = arith.constant 0 : i32
    %add3A_4 = arith.addi %mul3A_2, %add3A_3 : i32
    %dma_start3A = arith.constant 0 : i32
    %dma_start3A_5 = arith.constant 0 : i32
    %dma_start3A_6 = arith.constant 0 : i32
    %dma_start3A_7 = tpu.memref_slice %arg6[%dma_start3A, %dma_start3A_5, %dma_start3A_6] : memref<5x160x128xf32, #tpu.memory_space<vmem>> -> memref<1x160x128xf32, #tpu.memory_space<vmem>>
    %dma_start3A_8 = tpu.memref_squeeze %dma_start3A_7 : memref<1x160x128xf32, #tpu.memory_space<vmem>> -> memref<160x128xf32, #tpu.memory_space<vmem>>
    %dma_start3A_9 = arith.constant 0 : i32
    %dma_start3A_10 = tpu.memref_slice %arg3[%add3A_4, %dma_start3A_9] : memref<1000000x128xf32, #tpu.memory_space<hbm>> -> memref<160x128xf32, #tpu.memory_space<hbm>>
    %dma_start3A_11 = arith.constant 0 : i32
    %dma_start3A_12 = arith.constant 0 : i32
    %dma_start3A_13 = tpu.memref_slice %arg6[%dma_start3A, %dma_start3A_11, %dma_start3A_12] : memref<5x160x128xf32, #tpu.memory_space<vmem>> -> memref<1x160x128xf32, #tpu.memory_space<vmem>>
    %dma_start3A_14 = tpu.memref_squeeze %dma_start3A_13 : memref<1x160x128xf32, #tpu.memory_space<vmem>> -> memref<160x128xf32, #tpu.memory_space<vmem>>
    %dma_start3A_15 = arith.constant 0 : i32
    %dma_start3A_16 = tpu.memref_slice %arg3[%add3A_4, %dma_start3A_15] : memref<1000000x128xf32, #tpu.memory_space<hbm>> -> memref<160x128xf32, #tpu.memory_space<hbm>>
    tpu.enqueue_dma source(%dma_start3A_16 : memref<160x128xf32, #tpu.memory_space<hbm>>) target(%dma_start3A_14 : memref<160x128xf32, #tpu.memory_space<vmem>>) target_semaphore(%arg7 : memref<!tpu.dma_semaphore, #tpu.memory_space<semaphore_mem>>)
    %add3A_17 = arith.constant 160 : i32
    %add3A_18 = arith.addi %mul3A_2, %add3A_17 : i32
    %dma_start3A_19 = arith.constant 1 : i32
    %dma_start3A_20 = arith.constant 0 : i32
    %dma_start3A_21 = arith.constant 0 : i32
    %dma_start3A_22 = tpu.memref_slice %arg6[%dma_start3A_19, %dma_start3A_20, %dma_start3A_21] : memref<5x160x128xf32, #tpu.memory_space<vmem>> -> memref<1x160x128xf32, #tpu.memory_space<vmem>>
    %dma_start3A_23 = tpu.memref_squeeze %dma_start3A_22 : memref<1x160x128xf32, #tpu.memory_space<vmem>> -> memref<160x128xf32, #tpu.memory_space<vmem>>
    %dma_start3A_24 = arith.constant 0 : i32
    %dma_start3A_25 = tpu.memref_slice %arg3[%add3A_18, %dma_start3A_24] : memref<1000000x128xf32, #tpu.memory_space<hbm>> -> memref<160x128xf32, #tpu.memory_space<hbm>>
    %dma_start3A_26 = arith.constant 0 : i32
    %dma_start3A_27 = arith.constant 0 : i32
    %dma_start3A_28 = tpu.memref_slice %arg6[%dma_start3A_19, %dma_start3A_26, %dma_start3A_27] : memref<5x160x128xf32, #tpu.memory_space<vmem>> -> memref<1x160x128xf32, #tpu.memory_space<vmem>>
    %dma_start3A_29 = tpu.memref_squeeze %dma_start3A_28 : memref<1x160x128xf32, #tpu.memory_space<vmem>> -> memref<160x128xf32, #tpu.memory_space<vmem>>
    %dma_start3A_30 = arith.constant 0 : i32
    %dma_start3A_31 = tpu.memref_slice %arg3[%add3A_18, %dma_start3A_30] : memref<1000000x128xf32, #tpu.memory_space<hbm>> -> memref<160x128xf32, #tpu.memory_space<hbm>>
    tpu.enqueue_dma source(%dma_start3A_31 : memref<160x128xf32, #tpu.memory_space<hbm>>) target(%dma_start3A_29 : memref<160x128xf32, #tpu.memory_space<vmem>>) target_semaphore(%arg7 : memref<!tpu.dma_semaphore, #tpu.memory_space<semaphore_mem>>)
    %add3A_32 = arith.constant 320 : i32
    %add3A_33 = arith.addi %mul3A_2, %add3A_32 : i32
    %dma_start3A_34 = arith.constant 2 : i32
    %dma_start3A_35 = arith.constant 0 : i32
    %dma_start3A_36 = arith.constant 0 : i32
    %dma_start3A_37 = tpu.memref_slice %arg6[%dma_start3A_34, %dma_start3A_35, %dma_start3A_36] : memref<5x160x128xf32, #tpu.memory_space<vmem>> -> memref<1x160x128xf32, #tpu.memory_space<vmem>>
    %dma_start3A_38 = tpu.memref_squeeze %dma_start3A_37 : memref<1x160x128xf32, #tpu.memory_space<vmem>> -> memref<160x128xf32, #tpu.memory_space<vmem>>
    %dma_start3A_39 = arith.constant 0 : i32
    %dma_start3A_40 = tpu.memref_slice %arg3[%add3A_33, %dma_start3A_39] : memref<1000000x128xf32, #tpu.memory_space<hbm>> -> memref<160x128xf32, #tpu.memory_space<hbm>>
    %dma_start3A_41 = arith.constant 0 : i32
    %dma_start3A_42 = arith.constant 0 : i32
    %dma_start3A_43 = tpu.memref_slice %arg6[%dma_start3A_34, %dma_start3A_41, %dma_start3A_42] : memref<5x160x128xf32, #tpu.memory_space<vmem>> -> memref<1x160x128xf32, #tpu.memory_space<vmem>>
    %dma_start3A_44 = tpu.memref_squeeze %dma_start3A_43 : memref<1x160x128xf32, #tpu.memory_space<vmem>> -> memref<160x128xf32, #tpu.memory_space<vmem>>
    %dma_start3A_45 = arith.constant 0 : i32
    %dma_start3A_46 = tpu.memref_slice %arg3[%add3A_33, %dma_start3A_45] : memref<1000000x128xf32, #tpu.memory_space<hbm>> -> memref<160x128xf32, #tpu.memory_space<hbm>>
    tpu.enqueue_dma source(%dma_start3A_46 : memref<160x128xf32, #tpu.memory_space<hbm>>) target(%dma_start3A_44 : memref<160x128xf32, #tpu.memory_space<vmem>>) target_semaphore(%arg7 : memref<!tpu.dma_semaphore, #tpu.memory_space<semaphore_mem>>)
    %add3A_47 = arith.constant 480 : i32
    %add3A_48 = arith.addi %mul3A_2, %add3A_47 : i32
    %dma_start3A_49 = arith.constant 3 : i32
    %dma_start3A_50 = arith.constant 0 : i32
    %dma_start3A_51 = arith.constant 0 : i32
    %dma_start3A_52 = tpu.memref_slice %arg6[%dma_start3A_49, %dma_start3A_50, %dma_start3A_51] : memref<5x160x128xf32, #tpu.memory_space<vmem>> -> memref<1x160x128xf32, #tpu.memory_space<vmem>>
    %dma_start3A_53 = tpu.memref_squeeze %dma_start3A_52 : memref<1x160x128xf32, #tpu.memory_space<vmem>> -> memref<160x128xf32, #tpu.memory_space<vmem>>
    %dma_start3A_54 = arith.constant 0 : i32
    %dma_start3A_55 = tpu.memref_slice %arg3[%add3A_48, %dma_start3A_54] : memref<1000000x128xf32, #tpu.memory_space<hbm>> -> memref<160x128xf32, #tpu.memory_space<hbm>>
    %dma_start3A_56 = arith.constant 0 : i32
    %dma_start3A_57 = arith.constant 0 : i32
    %dma_start3A_58 = tpu.memref_slice %arg6[%dma_start3A_49, %dma_start3A_56, %dma_start3A_57] : memref<5x160x128xf32, #tpu.memory_space<vmem>> -> memref<1x160x128xf32, #tpu.memory_space<vmem>>
    %dma_start3A_59 = tpu.memref_squeeze %dma_start3A_58 : memref<1x160x128xf32, #tpu.memory_space<vmem>> -> memref<160x128xf32, #tpu.memory_space<vmem>>
    %dma_start3A_60 = arith.constant 0 : i32
    %dma_start3A_61 = tpu.memref_slice %arg3[%add3A_48, %dma_start3A_60] : memref<1000000x128xf32, #tpu.memory_space<hbm>> -> memref<160x128xf32, #tpu.memory_space<hbm>>
    tpu.enqueue_dma source(%dma_start3A_61 : memref<160x128xf32, #tpu.memory_space<hbm>>) target(%dma_start3A_59 : memref<160x128xf32, #tpu.memory_space<vmem>>) target_semaphore(%arg7 : memref<!tpu.dma_semaphore, #tpu.memory_space<semaphore_mem>>)
    %scan3A = arith.constant 0 : i32
    %scan3A_62 = arith.constant 0 : i32
    %scan3A_63 = arith.constant 160 : i32
    %scan3A_64 = arith.addi %scan3A_62, %scan3A_63 : i32
    %scan3A_65 = arith.constant 1 : i32
    scf.for %scan3A_96 = %scan3A_62 to %scan3A_64 step %scan3A_65  : i32 {
      %mul3A_97 = arith.constant 160 : i32
      %mul3A_98 = arith.muli %scan3A_96, %mul3A_97 : i32
      %add3A_99 = arith.addi %mul3A_2, %mul3A_98 : i32
      %jit3A = arith.constant 5 : i32
      %eq3A = arith.constant 0 : i32
      %eq3A_100 = arith.cmpi eq, %jit3A, %eq3A : i32
      %jit3A_101 = arith.constant 1 : i32
      %select_n3A = arith.select %eq3A_100, %jit3A_101, %jit3A : i32
      %rem3A = arith.remsi %scan3A_96, %select_n3A : i32
      %ne3A = arith.constant 0 : i32
      %ne3A_102 = arith.cmpi ne, %rem3A, %ne3A : i32
      %lt3A = arith.constant 0 : i32
      %lt3A_103 = arith.cmpi slt, %rem3A, %lt3A : i32
      %lt3A_104 = arith.constant 0 : i32
      %lt3A_105 = arith.cmpi slt, %select_n3A, %lt3A_104 : i32
      %ne3A_106 = arith.xori %lt3A_103, %lt3A_105 : i1
      %and3A = arith.andi %ne3A_106, %ne3A_102 : i1
      %add3A_107 = arith.addi %rem3A, %select_n3A : i32
      %select_n3A_108 = arith.select %and3A, %add3A_107, %rem3A : i32
      %dma_wait3A_109 = arith.constant 0 : i32
      %dma_wait3A_110 = arith.constant 0 : i32
      %dma_wait3A_111 = tpu.memref_slice %arg6[%select_n3A_108, %dma_wait3A_109, %dma_wait3A_110] : memref<5x160x128xf32, #tpu.memory_space<vmem>> -> memref<1x160x128xf32, #tpu.memory_space<vmem>>
      %dma_wait3A_112 = tpu.memref_squeeze %dma_wait3A_111 : memref<1x160x128xf32, #tpu.memory_space<vmem>> -> memref<160x128xf32, #tpu.memory_space<vmem>>
      %dma_wait3A_113 = arith.constant 0 : i32
      %dma_wait3A_114 = tpu.memref_slice %arg3[%add3A_99, %dma_wait3A_113] : memref<1000000x128xf32, #tpu.memory_space<hbm>> -> memref<160x128xf32, #tpu.memory_space<hbm>>
      %dma_wait3A_115 = arith.constant 0 : i32
      %dma_wait3A_116 = arith.constant 0 : i32
      %dma_wait3A_117 = tpu.memref_slice %arg6[%select_n3A_108, %dma_wait3A_115, %dma_wait3A_116] : memref<5x160x128xf32, #tpu.memory_space<vmem>> -> memref<1x160x128xf32, #tpu.memory_space<vmem>>
      %dma_wait3A_118 = tpu.memref_squeeze %dma_wait3A_117 : memref<1x160x128xf32, #tpu.memory_space<vmem>> -> memref<160x128xf32, #tpu.memory_space<vmem>>
      %dma_wait3A_119 = arith.constant 0 : i32
      %dma_wait3A_120 = tpu.memref_slice %arg3[%add3A_99, %dma_wait3A_119] : memref<1000000x128xf32, #tpu.memory_space<hbm>> -> memref<160x128xf32, #tpu.memory_space<hbm>>
      tpu.wait_dma2 semaphore(%arg7 : memref<!tpu.dma_semaphore, #tpu.memory_space<semaphore_mem>>) src(%dma_wait3A_120 : memref<160x128xf32, #tpu.memory_space<hbm>>) dst(%dma_wait3A_118 : memref<160x128xf32, #tpu.memory_space<vmem>>)
      %add3A_121 = arith.constant 5 : i32
      %add3A_122 = arith.addi %scan3A_96, %add3A_121 : i32
      %sub3A = arith.constant 1 : i32
      %sub3A_123 = arith.subi %add3A_122, %sub3A : i32
      %lt3A_124 = arith.constant 160 : i32
      %lt3A_125 = arith.cmpi slt, %sub3A_123, %lt3A_124 : i32
      %convert_element_type3A = arith.extui %lt3A_125 : i1 to i32
      %cond3A = arith.constant 0 : i32
      %cond3A_126 = arith.cmpi ne, %convert_element_type3A, %cond3A : i32
      scf.if %cond3A_126 {
        %add3A_127 = arith.constant 5 : i32
        %add3A_128 = arith.addi %scan3A_96, %add3A_127 : i32
        %sub3A_129 = arith.constant 1 : i32
        %sub3A_130 = arith.subi %add3A_128, %sub3A_129 : i32
        %mul3A_131 = arith.constant 160 : i32
        %mul3A_132 = arith.muli %sub3A_130, %mul3A_131 : i32
        %add3A_133 = arith.addi %mul3A_2, %mul3A_132 : i32
        %jit3A_134 = arith.constant 5 : i32
        %eq3A_135 = arith.constant 0 : i32
        %eq3A_136 = arith.cmpi eq, %jit3A_134, %eq3A_135 : i32
        %jit3A_137 = arith.constant 1 : i32
        %select_n3A_138 = arith.select %eq3A_136, %jit3A_137, %jit3A_134 : i32
        %rem3A_139 = arith.remsi %sub3A_130, %select_n3A_138 : i32
        %ne3A_140 = arith.constant 0 : i32
        %ne3A_141 = arith.cmpi ne, %rem3A_139, %ne3A_140 : i32
        %lt3A_142 = arith.constant 0 : i32
        %lt3A_143 = arith.cmpi slt, %rem3A_139, %lt3A_142 : i32
        %lt3A_144 = arith.constant 0 : i32
        %lt3A_145 = arith.cmpi slt, %select_n3A_138, %lt3A_144 : i32
        %ne3A_146 = arith.xori %lt3A_143, %lt3A_145 : i1
        %and3A_147 = arith.andi %ne3A_146, %ne3A_141 : i1
        %add3A_148 = arith.addi %rem3A_139, %select_n3A_138 : i32
        %select_n3A_149 = arith.select %and3A_147, %add3A_148, %rem3A_139 : i32
        %dma_start3A_150 = arith.constant 0 : i32
        %dma_start3A_151 = arith.constant 0 : i32
        %dma_start3A_152 = tpu.memref_slice %arg6[%select_n3A_149, %dma_start3A_150, %dma_start3A_151] : memref<5x160x128xf32, #tpu.memory_space<vmem>> -> memref<1x160x128xf32, #tpu.memory_space<vmem>>
        %dma_start3A_153 = tpu.memref_squeeze %dma_start3A_152 : memref<1x160x128xf32, #tpu.memory_space<vmem>> -> memref<160x128xf32, #tpu.memory_space<vmem>>
        %dma_start3A_154 = arith.constant 0 : i32
        %dma_start3A_155 = tpu.memref_slice %arg3[%add3A_133, %dma_start3A_154] : memref<1000000x128xf32, #tpu.memory_space<hbm>> -> memref<160x128xf32, #tpu.memory_space<hbm>>
        %dma_start3A_156 = arith.constant 0 : i32
        %dma_start3A_157 = arith.constant 0 : i32
        %dma_start3A_158 = tpu.memref_slice %arg6[%select_n3A_149, %dma_start3A_156, %dma_start3A_157] : memref<5x160x128xf32, #tpu.memory_space<vmem>> -> memref<1x160x128xf32, #tpu.memory_space<vmem>>
        %dma_start3A_159 = tpu.memref_squeeze %dma_start3A_158 : memref<1x160x128xf32, #tpu.memory_space<vmem>> -> memref<160x128xf32, #tpu.memory_space<vmem>>
        %dma_start3A_160 = arith.constant 0 : i32
        %dma_start3A_161 = tpu.memref_slice %arg3[%add3A_133, %dma_start3A_160] : memref<1000000x128xf32, #tpu.memory_space<hbm>> -> memref<160x128xf32, #tpu.memory_space<hbm>>
        tpu.enqueue_dma source(%dma_start3A_161 : memref<160x128xf32, #tpu.memory_space<hbm>>) target(%dma_start3A_159 : memref<160x128xf32, #tpu.memory_space<vmem>>) target_semaphore(%arg7 : memref<!tpu.dma_semaphore, #tpu.memory_space<semaphore_mem>>)
      } else {
      }
    }
    %scan3A_66 = arith.constant 160 : i32
    %add3A_67 = arith.constant 25440 : i32
    %add3A_68 = arith.addi %mul3A_2, %add3A_67 : i32
    %dma_start3A_69 = arith.constant 4 : i32
    %dma_start3A_70 = arith.constant 0 : i32
    %dma_start3A_71 = arith.constant 0 : i32
    %dma_start3A_72 = tpu.memref_slice %arg6[%dma_start3A_69, %dma_start3A_70, %dma_start3A_71] : memref<5x160x128xf32, #tpu.memory_space<vmem>> -> memref<1x160x128xf32, #tpu.memory_space<vmem>>
    %dma_start3A_73 = tpu.memref_squeeze %dma_start3A_72 : memref<1x160x128xf32, #tpu.memory_space<vmem>> -> memref<160x128xf32, #tpu.memory_space<vmem>>
    %dma_start3A_74 = arith.constant 0 : i32
    %dma_start3A_75 = tpu.memref_slice %arg4[%add3A_68, %dma_start3A_74] : memref<819200x128xf32, #tpu.memory_space<hbm>> -> memref<160x128xf32, #tpu.memory_space<hbm>>
    %dma_start3A_76 = arith.constant 0 : i32
    %dma_start3A_77 = tpu.memref_slice %arg4[%add3A_68, %dma_start3A_76] : memref<819200x128xf32, #tpu.memory_space<hbm>> -> memref<160x128xf32, #tpu.memory_space<hbm>>
    %dma_start3A_78 = arith.constant 0 : i32
    %dma_start3A_79 = arith.constant 0 : i32
    %dma_start3A_80 = tpu.memref_slice %arg6[%dma_start3A_69, %dma_start3A_78, %dma_start3A_79] : memref<5x160x128xf32, #tpu.memory_space<vmem>> -> memref<1x160x128xf32, #tpu.memory_space<vmem>>
    %dma_start3A_81 = tpu.memref_squeeze %dma_start3A_80 : memref<1x160x128xf32, #tpu.memory_space<vmem>> -> memref<160x128xf32, #tpu.memory_space<vmem>>
    tpu.enqueue_dma source(%dma_start3A_81 : memref<160x128xf32, #tpu.memory_space<vmem>>) target(%dma_start3A_77 : memref<160x128xf32, #tpu.memory_space<hbm>>) target_semaphore(%arg8 : memref<!tpu.dma_semaphore, #tpu.memory_space<semaphore_mem>>)
    %add3A_82 = arith.constant 25440 : i32
    %add3A_83 = arith.addi %mul3A_2, %add3A_82 : i32
    %dma_wait3A = arith.constant 4 : i32
    %dma_wait3A_84 = arith.constant 0 : i32
    %dma_wait3A_85 = arith.constant 0 : i32
    %dma_wait3A_86 = tpu.memref_slice %arg6[%dma_wait3A, %dma_wait3A_84, %dma_wait3A_85] : memref<5x160x128xf32, #tpu.memory_space<vmem>> -> memref<1x160x128xf32, #tpu.memory_space<vmem>>
    %dma_wait3A_87 = tpu.memref_squeeze %dma_wait3A_86 : memref<1x160x128xf32, #tpu.memory_space<vmem>> -> memref<160x128xf32, #tpu.memory_space<vmem>>
    %dma_wait3A_88 = arith.constant 0 : i32
    %dma_wait3A_89 = tpu.memref_slice %arg4[%add3A_83, %dma_wait3A_88] : memref<819200x128xf32, #tpu.memory_space<hbm>> -> memref<160x128xf32, #tpu.memory_space<hbm>>
    %dma_wait3A_90 = arith.constant 0 : i32
    %dma_wait3A_91 = tpu.memref_slice %arg4[%add3A_83, %dma_wait3A_90] : memref<819200x128xf32, #tpu.memory_space<hbm>> -> memref<160x128xf32, #tpu.memory_space<hbm>>
    %dma_wait3A_92 = arith.constant 0 : i32
    %dma_wait3A_93 = arith.constant 0 : i32
    %dma_wait3A_94 = tpu.memref_slice %arg6[%dma_wait3A, %dma_wait3A_92, %dma_wait3A_93] : memref<5x160x128xf32, #tpu.memory_space<vmem>> -> memref<1x160x128xf32, #tpu.memory_space<vmem>>
    %dma_wait3A_95 = tpu.memref_squeeze %dma_wait3A_94 : memref<1x160x128xf32, #tpu.memory_space<vmem>> -> memref<160x128xf32, #tpu.memory_space<vmem>>
    tpu.wait_dma2 semaphore(%arg8 : memref<!tpu.dma_semaphore, #tpu.memory_space<semaphore_mem>>) src(%dma_wait3A_95 : memref<160x128xf32, #tpu.memory_space<vmem>>) dst(%dma_wait3A_91 : memref<160x128xf32, #tpu.memory_space<hbm>>)
    return
  }
}

module attributes {stable_mosaic.version = 14 : i64} {
  func.func @_proj_body(%arg0: i32, %arg1: memref<32x4096xf32, #tpu.memory_space<vmem>>, %arg2: memref<32x128xf32, #tpu.memory_space<vmem>>, %arg3: memref<4096x128xf32, #tpu.memory_space<vmem>>) attributes {dimension_semantics = [#tpu.dimension_semantics<arbitrary>], iteration_bounds = array<i64: 245>, scalar_prefetch = 0 : i64, scratch_operands = 0 : i64, tpu.core_type = #tpu.core_type<tc>, window_params = [{transform_indices = @transform_0, window_bounds = array<i64: 32, 4096>}, {pipeline_mode = #tpu.pipeline_mode<synchronous>, transform_indices = @transform_1, window_bounds = array<i64: 32, 128>}, {transform_indices = @transform_2, window_bounds = array<i64: 4096, 128>}]} {
    %get3A = arith.constant 0 : index
    %get3A_0 = arith.constant 0 : index
    %get3A_1 = vector.load %arg1[%get3A, %get3A_0] : memref<32x4096xf32, #tpu.memory_space<vmem>>, vector<32x4096xf32>
    %get3A_2 = arith.constant 0 : index
    %get3A_3 = arith.constant 0 : index
    %get3A_4 = vector.load %arg2[%get3A_2, %get3A_3] : memref<32x128xf32, #tpu.memory_space<vmem>>, vector<32x128xf32>
    %dot_general3A = arith.constant dense<0.000000e+00> : vector<4096x128xf32>
    %dot_general3A_5 = tpu.matmul %get3A_1, %get3A_4, %dot_general3A {dimension_numbers = #tpu.dot_dimension_numbers<[0], [0], [1], [1], [0, 1, 1, 1], [], []>, transpose_lhs_hint = true} : vector<32x4096xf32>, vector<32x128xf32>, vector<4096x128xf32> -> vector<4096x128xf32>
    %swap3A = arith.constant 0 : index
    %swap3A_6 = arith.constant 0 : index
    %swap3A_7 = vector.load %arg3[%swap3A, %swap3A_6] : memref<4096x128xf32, #tpu.memory_space<vmem>>, vector<4096x128xf32>
    tpu.vector_store %arg3[%swap3A, %swap3A_6], %dot_general3A_5 {strides = array<i32>} : memref<4096x128xf32, #tpu.memory_space<vmem>>, vector<4096x128xf32>,
    return
  }
  func.func @transform_0(%arg0: i32) -> (i32, i32) {
    %c0_i32 = arith.constant 0 : i32
    %c0_i32_0 = arith.constant 0 : i32
    return %c0_i32, %arg0 : i32, i32
  }
  func.func @transform_1(%arg0: i32) -> (i32, i32) {
    %c0_i32 = arith.constant 0 : i32
    %c0_i32_0 = arith.constant 0 : i32
    %c0_i32_1 = arith.constant 0 : i32
    return %c0_i32, %c0_i32_0 : i32, i32
  }
  func.func @transform_2(%arg0: i32) -> (i32, i32) {
    %c0_i32 = arith.constant 0 : i32
    %c0_i32_0 = arith.constant 0 : i32
    return %arg0, %c0_i32 : i32, i32
  }
}

</mosaic_0001>

<sc_bundles>
// kernel: kernel.4.cloned.1.call-start
scs
__scs_entry_jumppad:
0x0: {  	(pc) =	sbr.rel $0x88, $3  }
0x1: {  	(tag) =	ssettag $0x0;
	lr =	simm.s32 $0x1  }
0x2: {  	[smem:$0x3F9E] =	sst lr;
	_ =	strace $0xD0000000  }
0x3: {  	_ = 	snop  }
0x4: {  	_ = 	snop  }
0x5: {  	_ = 	snop  }
0x6: {  	_ = 	snop  }
0x7: {  	_ = 	snop  }
__scs_overlays_trampoline_lowered:
0x8: {  	[smem:$0x3FAD] =	sst s0  }
0x9: {  	[smem:$0x3FAE] =	sst s1  }
0xa: {  	[smem:$0x3FAF] =	sst s2  }
0xb: {  	[smem:$0x3FB0] =	sst s3  }
0xc: {  	[smem:$0x3FB1] =	sst s4  }
0xd: {  	[smem:$0x3FB2] =	sst s5  }
0xe: {  	[smem:$0x3FB3] =	sst s6  }
0xf: {  	[smem:$0x3FB4] =	sst s7  }
0x10: {  	[smem:$0x3FB5] =	sst s8  }
0x11: {  	[smem:$0x3FB6] =	sst s9;
	s0 =	simm.s32 @!p0 $0x0  }
0x12: {  	s1 =	sld [smem:$0x3F9C];
	s0 =	simm.s32 @p0 $0x1  }
0x13: {  	[smem:$0x3FB7] =	sst s0;
	s0 =	simm.s32 @!p1 $0x0  }
0x14: {  	s2 =	sld [smem:$0x3F9B];
	s0 =	simm.s32 @p1 $0x1  }
0x15: {  	[smem:$0x3FB8] =	sst s0;
	s0 =	simm.s32 @!p2 $0x0  }
0x16: {  	s3 =	sld [smem:$0x3FDB];
	s0 =	simm.s32 @p2 $0x1  }
0x17: {  	s4 =	simm.s32 $0x1BF5;
	[smem:$0x3FBA] =	sst s0  }
0x18: {  	s0 =	sld [smem:$0x3F9D];
	_ =	swait.ge [sflag:s4], $0x0  }
0x19: {  	s7 =	sld [smem:$0x3F9E]  }
0x1a: {  	s8 =	sadd.s32 $0xFFFFE003, lr  }
0x1b: {  	s9 =	sadd.s32 $0xFFFFFEF7, lr;
	s5 =	simm.s32 $0xFFFFFFFF;
	p2 =	slt.u32 s8, $0xFFFFF086  }
0x1c: {  	p1 =	slt.u32 s9, $0xF7A;
	s5 =	simm.s32 @!p2 $0x0  }
0x1d: {  	s5 =	simm.s32 @p1 $0x1;
	p0 =	seq.s32 s7, s2  }
0x1e: {  	s7 =	smul.u32 @!p0 $0xF7A, s2;
	p2 =	seq.s32 @!p0 s5, $0x0  }
0x1f: {  	s9 =	smul.u32 $0xF7A, s1;
	s8 =	simm.s32 @!p0 $0x1BF5;
	p2 =	por !p2, p0  }
0x20: {  	[sflag:s8] =	ssyncset.s32 @!p0 $0xFFFFF086;
	s6 =	sadd.s32 @!p0 s3, s7;
	s7 =	simm.s32 @!p0 $0x108  }
0x21: {  	s3 =	sadd.s32 s3, s9;
	s6 =	sadd.s32 @!p0 $0x88, s6;
	s7 =	simm.s32 @p2 $0x1082  }
0x22: {  	[simem:s7], [sflag:s8] =	dma.local @!p0 [hbm:s6], $0xF7A  }
0x23: {  	s9 =	sor.u32 $0xD0000000, s2;
	s6 =	simm.s32 $0x108;
	_ =	swait.ge @!p0 [sflag:s8], $0x0  }
0x24: {  	s3 =	sadd.s32 $0x88, s3;
	s6 =	simm.s32 @!p1 $0x1082;
	[sflag:s4] =	ssyncset.s32 $0xFFFFF086  }
0x25: {  	[simem:s6], [sflag:s4] =	dma.local [hbm:s3], $0xF7A  }
0x26: {  	[smem:$0x3F9E] =	sst s1;
	(tag) =	ssettag s2;
	_ =	strace s9  }
0x27: {  	s1 =	sld [smem:$0x3FAE]  }
0x28: {  	s2 =	sld [smem:$0x3FAF]  }
0x29: {  	s4 =	sld [smem:$0x3FB1]  }
0x2a: {  	p0 =	seq.s32 s5, $0x0;
	s5 =	sld [smem:$0x3FB2]  }
0x2b: {  	s6 =	sld [smem:$0x3FB3]  }
0x2c: {  	s7 =	sld [smem:$0x3FB4]  }
0x2d: {  	s3 =	simm.s32 $0x108;
	s8 =	sld [smem:$0x3FB5]  }
0x2e: {  	s3 =	simm.s32 @!p0 $0x1082;
	s9 =	sld [smem:$0x3FB6]  }
0x2f: {  	lr =	sadd.s32 s0, s3;
	s0 =	sld [smem:$0x3FAD]  }
0x30: {  	s3 =	sld [smem:$0x3FB0]  }
0x31: {  	[smem:$0x3FB9] =	sst s10  }
0x32: {  	s10 =	sld [smem:$0x3FB7];
	_ =	sdelay $0x3  }
0x33: {  	p0 =	seq.s32 s10, $0x1;
	s10 =	sld [smem:$0x3FB9];
	_ =	sdelay $0x3  }
0x34: {  	[smem:$0x3FB9] =	sst s10  }
0x35: {  	s10 =	sld [smem:$0x3FB8];
	_ =	sdelay $0x3  }
0x36: {  	p1 =	seq.s32 s10, $0x1;
	s10 =	sld [smem:$0x3FB9];
	_ =	sdelay $0x3  }
0x37: {  	[smem:$0x3FB9] =	sst s10  }
0x38: {  	s10 =	sld [smem:$0x3FBA]  }
0x39: {  	_ = 	snop;
	(pc) =	sbr.ind lr, $3  }
0x3a: {  	_ = 	snop  }
0x3b: {  	_ = 	snop  }
0x3c: {  	p2 =	seq.s32 s10, $0x1;
	s10 =	sld [smem:$0x3FB9]  }
0x3d: {  	_ =	shalt  }
0x3e: {  	_ =	shalt  }
0x3f: {  	_ =	shalt  }
0x40: {  	_ =	shalt  }
0x41: {  	_ =	shalt  }
0x42: {  	_ =	shalt  }
0x43: {  	_ =	shalt  }
0x44: {  	_ =	shalt  }
0x45: {  	_ =	shalt  }
0x46: {  	_ =	shalt  }
0x47: {  	_ =	shalt  }
0x48: {  	_ =	shalt  }
0x49: {  	_ =	shalt  }
0x4a: {  	_ =	shalt  }
0x4b: {  	_ =	shalt  }
0x4c: {  	_ =	shalt  }
0x4d: {  	_ =	shalt  }
0x4e: {  	_ =	shalt  }
0x4f: {  	_ =	shalt  }
0x50: {  	_ =	shalt  }
0x51: {  	_ =	shalt  }
0x52: {  	_ =	shalt  }
0x53: {  	_ =	shalt  }
0x54: {  	_ =	shalt  }
0x55: {  	_ =	shalt  }
0x56: {  	_ =	shalt  }
0x57: {  	_ =	shalt  }
0x58: {  	_ =	shalt  }
0x59: {  	_ =	shalt  }
0x5a: {  	_ =	shalt  }
0x5b: {  	_ =	shalt  }
0x5c: {  	_ =	shalt  }
0x5d: {  	_ =	shalt  }
0x5e: {  	_ =	shalt  }
0x5f: {  	_ =	shalt  }
0x60: {  	_ =	shalt  }
0x61: {  	_ =	shalt  }
0x62: {  	_ =	shalt  }
0x63: {  	_ =	shalt  }
0x64: {  	_ =	shalt  }
0x65: {  	_ =	shalt  }
0x66: {  	_ =	shalt  }
0x67: {  	_ =	shalt  }
0x68: {  	_ =	shalt  }
0x69: {  	_ =	shalt  }
0x6a: {  	_ =	shalt  }
0x6b: {  	_ =	shalt  }
0x6c: {  	_ =	shalt  }
0x6d: {  	_ =	shalt  }
0x6e: {  	_ =	shalt  }
0x6f: {  	_ =	shalt  }
0x70: {  	_ =	shalt  }
0x71: {  	_ =	shalt  }
0x72: {  	_ =	shalt  }
0x73: {  	_ =	shalt  }
0x74: {  	_ =	shalt  }
0x75: {  	_ =	shalt  }
0x76: {  	_ =	shalt  }
0x77: {  	_ =	shalt  }
0x78: {  	_ =	shalt  }
0x79: {  	_ =	shalt  }
0x7a: {  	_ =	shalt  }
0x7b: {  	_ =	shalt  }
0x7c: {  	_ =	shalt  }
0x7d: {  	_ =	shalt  }
0x7e: {  	_ =	shalt  }
0x7f: {  	_ =	shalt  }
0x80: {  	_ =	shalt  }
0x81: {  	_ =	shalt  }
0x82: {  	_ =	shalt  }
0x83: {  	_ =	shalt  }
0x84: {  	_ =	shalt  }
0x85: {  	_ =	shalt  }
0x86: {  	_ =	shalt  }
0x87: {  	_ =	shalt  }
.Lfunc_end0:
.L_simem_size_0:
called_computation_lowered:
.L_overlay_start_0:
0x88: {  	s2 =	sld [smem:$0x3FD9]  }
0x89: {  	s3 =	sld [smem:$0x3FFE];
	_ =	sdelay $0x1  }
0x8a: {  	s1 =	srdreg.scid  }
0x8b: {  	s0 =	sand.u32 $0x1, s1  }
0x8c: {  	s17 =	sshll.u32 s0, $0xA;
	s2 =	sadd.s32 s3, s2  }
0x8d: {  	s2 =	sadd.s32 s2, s17  }
0x8e: {  	[smem:$0x3FC5] =	sst s2  }
0x8f: {  	_ = 	snop  }
0x90: {  	s2 =	sld [smem:$0x3FD0];
	(tm) =	ssettm $0x1  }
0x91: {  	s18 =	sld [smem:$0x3FFB];
	_ =	sdelay $0x3  }
0x92: {  	_ =	strace s18  }
0x93: {  	s3 =	sld [smem:$0x3FFC];
	_ =	sdelay $0x3  }
0x94: {  	_ =	strace s3  }
0x95: {  	s3 =	sld [smem:$0x3FFD];
	_ =	sdelay $0x3  }
0x96: {  	_ =	strace s3  }
0x97: {  	_ =	strace $0x8FFFFFFF  }
0x98: {  	s19 =	sld [smem:$0x3FDB];
	_ =	sdelay $0x1  }
0x99: {  	s4 =	simm.s32 $_scs_section_size  }
0x9a: {  	s5 =	simm.s32 $_size__tile_overlayer_lowered;
	s6 =	simm.s32 $_tile_overlayer_lowered  }
0x9b: {  	s22 =	simm.s32 $0x1BFF;
	s21 =	sshll.u32 s6, $0x1;
	s3 =	sadd.s32 s4, s19  }
0x9c: {  	s7 =	simm.s32 $0x0;
	s20 =	sshll.u32 s5, $0x1;
	s5 =	sadd.s32 s21, s3  }
0x9d: {  	[timem:s7], [sflag:s22] =	dma.local [hbm:s5], s20  }
0x9e: {  	_ =	swait.ge [sflag:s22], s20  }
0x9f: {  	s4 =	ssub.s32 $0x0, s20;
	[sflag:s22] =	ssyncset.done $0x0  }
0xa0: {  	[sflag:s22] =	ssyncadd.s32 s4;
	_ =	sdelay $0x1  }
0xa1: {  	s23 =	simm.s32 $0x1B8B  }
0xa2: {  	_ =	swait.ge [sflag:s23], $0x1  }
0xa3: {  	[sflag:s23] =	ssyncset.done $0x0  }
0xa4: {  	s25 =	simm.s32 $0x1B8E;
	s24 =	sld [smem:$0x3FFE];
	[sflag:s23] =	ssyncadd.s32 $0xFFFFFFFF  }
0xa5: {  	s26 =	simm.s32 $execute0_lowered;
	[smem:$0x3FD2] =	sst s25  }
0xa6: {  	s5 =	sshll.u32 s26, $0x1;
	_ =	strace $0x80000046;
	[dreg:$0x1] =	wrdreg $0xFFFFFFFF  }
0xa7: {  	s28 =	simm.s32 $_size_execute0_lowered;
	s3 =	sadd.s32 s3, s5;
	[dreg:$0x0] =	wrdreg $0x0  }
0xa8: {  	s5 =	sshll.u32 s28, $0x1;
	[dreg:$0x2] =	wrdreg s3  }
0xa9: {  	[dreg:$0x3] =	wrdreg s5  }
0xaa: {  	[dreg:$0x4] =	wrdreg $0xC0  }
0xab: {  	_ =	task [dreg:s7], $0x5FFFF  }
0xac: {  	[dreg:$0x1] =	wrdreg $0xFFFFFFFF  }
0xad: {  	[dreg:$0x0] =	wrdreg $0x60  }
0xae: {  	[dreg:$0x2] =	wrdreg s24  }
0xaf: {  	[dreg:$0x3] =	wrdreg s2  }
0xb0: {  	[dreg:$0x4] =	wrdreg $0x9  }
0xb1: {  	_ =	task.clear_ibuf [dreg:s7], $0x5FFFF;
	_ =	strace $0x90000046  }
0xb2: {  	s29 =	simm.s32 $0x9;
	_ =	strace $0x80000048  }
0xb3: {  	_ =	swait.ge [sflag:s29], $0x1  }
0xb4: {  	[sflag:s29] =	ssyncadd.s32 $0xFFFFFFFF  }
0xb5: {  	_ =	strace $0x90000048  }
0xb6: {  	_ =	sfence  }
0xb7: {  	s30 =	sld [smem:$0x0];
	_ =	sdelay $0x2  }
0xb8: {  	s31 =	sshll.u32 s1, $0xD;
	s1 =	sshrl.u32 s1, $0x2  }
0xb9: {  	s3 =	sand.u32 $0x4000, s31;
	s1 =	sadd.s32 s1, s30  }
0xba: {  	s0 =	sor.u32 s3, s0;
	s1 =	sshll.u32 s1, $0x11  }
0xbb: {  	s0 =	sor.u32 s1, s0  }
0xbc: {  	s0 =	sadd.s32 $0x8F2B, s0  }
0xbd: {  	[sflag:s0] =	ssyncadd.remote.s32 $0x1  }
0xbe: {  	_ =	sfence.sel $0xFFFF  }
0xbf: {  	[dreg:$0x0] =	wrdreg $0xFFFFFFFF;
	(pc) =	sbr.abs _section_cstart, $3  }
0xc0: {  	[dreg:$0x1] =	wrdreg $0xFFFFFFFF  }
0xc1: {  	_ =	task.clear_ibuf [dreg:s7], $0x2FFFF;
	_ =	strace $0x9FFFFFFF  }
0xc2: {  	(tm) =	ssettm $0x7FFFFFFF  }
0xc3: {  	_ =	shalt  }
tec
execute0_lowered:
.L_overlay_start_1:
0x0: {  	(tag) =	ssettag $0x1  }
0x1: {  	s1 =	srdreg.scid;
	s3 =	rddreg [dreg:$0x0]  }
0x2: {  	s0 =	stileid.u32;
	s8 =	rddreg [dreg:$0x1];
	s2 =	simm.s32 $0x0  }
0x3: {  	s13 =	simm.s32 $0xB400;
	s14 =	simm.s32 $0x10400;
	s15 =	simm.s32 $0x15400  }
0x4: {  	s16 =	simm.s32 $0x1;
	s17 =	simm.s32 $0x1A400;
	s18 =	simm.s32 $0x2  }
0x5: {  	s4 =	sand.u32 $0x1, s1;
	s28 =	sshll.u32 s0, $0x1;
	s10 =	smul.u32 $0xC800, s0  }
0x6: {  	s1 =	rddreg [dreg:$0x2];
	s5 =	sor.u32 s4, s28;
	s12 =	smul.u32 $0x6400, s4  }
0x7: {  	s19 =	simm.s32 $0x0;
	[smem:$0x7FF] =	sst s2;
	s6 =	smul.u32 $0x6400, s5  }
0x8: {  	s11 =	sadd.s32 $0x19600, s3;
	s9 =	ssub.s32 $0x2, s4;
	s7 =	smul.u32 $0x64000, s5  }
0x9: {  	_ =	strace $0x80000047;
	s29 =	sshrl.u32 s9, $0x1;
	s30 =	smul.u32 $0x320000, s5  }
0xa: {  	s9 =	ssub.s32 s9, s29;
	s10 =	sadd.s32 s12, s10;
	s12 =	simm.s32 $0x6400  }
0xb: {  	s6 =	sshrl.u32 s6, $0x3;
	s31 =	sshrl.u32 s30, $0x3;
	s10 =	sshll.u32 s10, $0x4  }
0xc: {  	s9 =	smax.u32 s9, $0x1;
	s6 =	sadd.s32 s6, s3;
	s3 =	sadd.s32 s11, s7  }
0xd: {  	s8 =	sadd.s32 s8, s31;
	s10 =	sadd.s32 s10, s11;
	s11 =	simm.s32 $0x3  }
0xe: {  	s4 =	sadd.s32 $0x600, s6;
	s5 =	sadd.s32 $0xA00, s3;
	s6 =	sadd.s32 $0x1400, s3  }
0xf: {  	s7 =	sadd.s32 $0x1E00, s3;
	s8 =	sadd.s32 $0x63600, s8;
	s10 =	sadd.s32 $0x2800, s10  }
.LBB2_1:
0x10: {  	[tilespmem:s2], [sflag:$0x3] =	stream.linear.gather [hbm4b:s4+s2], $0x6400, $0x38;
	[tilespmem:$0x1F400] =	vst v63  }
0x11: {  	s20 =	simm.s32 $0x4;
	p0 =	por $0x0, $0x0  }
0x12: {  	_ =	swait.ge [sflag:s11], $0x6400;
	s20 =	smul.u32 @!p0 $0xCD, s20  }
0x13: {  	[sflag:s11] =	ssyncset.done $0x0  }
0x14: {  	[sflag:s11] =	ssyncadd.s32 $0xFFFF9C00;
	s20 =	sshrl.u32 @!p0 s20, $0xA  }
0x15: {  	[tilespmem:s12], [sflag:$0x1] =	stream.linear.gather [hbm4b:s3+s2], $0x5000, $0x38;
	[tilespmem:$0x1F400] =	vst v63  }
0x16: {  	s20 =	sand.u32 @!p0 $0x3F, s20  }
0x17: {  	p1 =	por p0, p0;
	s21 =	smul.u32 @!p0 $0x5, s20  }
0x18: {  	[tilespmem:s13], [sflag:$0x1] =	stream.linear.gather [hbm4b:s5+s2], $0x5000, $0x38;
	[tilespmem:$0x1F400] =	vst v63  }
0x19: {  	s21 =	ssub.s32 @!p1 $0x4, s21  }
0x1a: {  	[tilespmem:s14], [sflag:$0x1] =	stream.linear.gather [hbm4b:s6+s2], $0x5000, $0x38;
	[tilespmem:$0x1F400] =	vst v63  }
0x1b: {  	s21 =	sand.u32 @!p1 $0xFF, s21  }
0x1c: {  	s20 =	simm.s32 $0x5;
	p0 =	por $0x0, $0x0;
	s21 =	smul.u32 @!p1 $0x14000, s21  }
0x1d: {  	[tilespmem:s15], [sflag:$0x1] =	stream.linear.gather [hbm4b:s7+s2], $0x5000, $0x38;
	[tilespmem:$0x1F400] =	vst v63  }
0x1e: {  	s22 =	smul.u32 @!p0 $0xCD, s20;
	_ =	swait.ge [sflag:s16], $0x5000  }
0x1f: {  	s23 =	simm.s32 @!p1 $0x0;
	s21 =	sshrl.u32 @!p1 s21, $0x2;
	[sflag:s16] =	ssyncset.done $0x0  }
0x20: {  	s22 =	sshrl.u32 @!p0 s22, $0xA;
	s21 =	sadd.s32 @!p1 $0x6400, s21;
	[sflag:s16] =	ssyncadd.s32 $0xFFFFB000  }
0x21: {  	[tilespmem:s21], [sflag:$0x1] =	stream.linear.gather @!p1 [hbm4b:s10+s23], $0x5000, $0x38;
	[tilespmem:$0x1F400] =	vst v63  }
0x22: {  	s21 =	sand.u32 @!p0 $0x3F, s22  }
0x23: {  	s22 =	simm.s32 $0x6;
	s23 =	smul.u32 @!p0 $0x5, s21;
	s21 =	smov.u32 s10  }
.LBB2_2:
0x24: {  	s24 =	sadd.s32 $0xFFFFFFFC, s22  }
0x25: {  	_ =	swait.ge [sflag:s16], $0x5000;
	s25 =	smov.u32 s20;
	p1 =	por p0, p0  }
0x26: {  	s20 =	smov.u32 s22;
	p0 =	sgt.u32 s24, $0x9B;
	s23 =	ssub.s32 @!p1 s25, s23  }
0x27: {  	s22 =	sadd.s32 $0x1, s22;
	s24 =	smul.u32 @!p0 $0xCD, s20;
	s23 =	sand.u32 @!p1 $0xFF, s23  }
0x28: {  	p2 =	sne.s32 s22, $0xA4;
	s23 =	smul.u32 @!p1 $0x14000, s23  }
.Ltmp0:
0x29: {  	(pc) =	sbr.rel @p2 .LBB2_2-.Ltmp0, $4  }
0x2a: {  	s21 =	sadd.s32 $0xA00, s21;
	s25 =	simm.s32 @!p1 $0x0;
	s24 =	sshrl.u32 @!p0 s24, $0xA  }
0x2b: {  	s24 =	sand.u32 @!p0 $0x3F, s24;
	[sflag:s16] =	ssyncset.done $0x0;
	s26 =	sshrl.u32 @!p1 s23, $0x2  }
0x2c: {  	s23 =	smul.u32 @!p0 $0x5, s24;
	[sflag:s16] =	ssyncadd.s32 $0xFFFFB000;
	s24 =	sadd.s32 @!p1 $0x6400, s26  }
0x2d: {  	[tilespmem:s24], [sflag:$0x1] =	stream.linear.gather @!p1 [hbm4b:s21+s25], $0x5000, $0x38;
	[tilespmem:$0x1F400] =	vst v63  }
0x2e: {  	p0 =	por p0, p0  }
0x2f: {  	s20 =	ssub.s32 @!p0 s20, s23  }
0x30: {  	s20 =	sand.u32 @!p0 $0xFF, s20  }
0x31: {  	s20 =	smul.u32 @!p0 $0x14000, s20  }
0x32: {  	_ =	swait.ge [sflag:s16], $0x5000;
	s21 =	sadd.s32 $0xA00, s21  }
0x33: {  	s19 =	sadd.s32 $0x1, s19;
	[sflag:s16] =	ssyncset.done $0x0;
	s20 =	sshrl.u32 @!p0 s20, $0x2  }
0x34: {  	s22 =	simm.s32 @!p0 $0x0;
	[sflag:s16] =	ssyncadd.s32 $0xFFFFB000;
	s20 =	sadd.s32 @!p0 $0x6400, s20  }
0x35: {  	[tilespmem:s20], [sflag:$0x1] =	stream.linear.gather @!p0 [hbm4b:s21+s22], $0x5000, $0x38;
	[tilespmem:$0x1F400] =	vst v63  }
0x36: {  	p0 =	sne.s32 s19, s9  }
.Ltmp1:
0x37: {  	_ = 	snop;
	(pc) =	sbr.rel @p0 .LBB2_1-.Ltmp1, $4  }
0x38: {  	[hbm4b:s8+s2] =	stream.linear.scatter [tilespmem:s17], [sflag:$0x2], $0x5000, $0x38;
	[tilespmem:$0x1F400] =	vst v63  }
0x39: {  	_ =	swait.ge [sflag:s18], $0x5000  }
0x3a: {  	[sflag:s18] =	ssyncset.done $0x0  }
0x3b: {  	[sflag:s18] =	ssyncadd.s32 $0xFFFFB000  }
0x3c: {  	_ =	sfence.sel $0x180000  }
0x3d: {  	[bflag:$0x0] =	sbarrier.arrive $0xFFFF  }
0x3e: {  	p0 =	sne.s32 s0, $0x0;
	_ =	strace $0x90000047  }
0x3f: {  	s0 =	sadd.s32 @!p0 $0x100000, s1;
	[bflag:$0x2] =	sbarrier.arrive $0xFFFF  }
0x40: {  	[sflag:s0] =	ssyncadd.tile.s32 @!p0 $0x1;
	_ =	shalt  }
.Lfunc_end2:
_tile_overlayer_lowered:
.L_overlay_start_2:
0x41: {  	(tag) =	ssettag $0x2  }
0x42: {  	s0 =	rddreg [dreg:$0x0];
	s2 =	stileid.u32  }
0x43: {  	s1 =	rddreg [dreg:$0x1];
	p0 =	sne.s32 s2, $0x0  }
0x44: {  	s3 =	rddreg [dreg:$0x2];
	[bflag:$0x3] =	sbarrier.arrive $0xFFFF;
	s2 =	simm.s32 @!p0 $0x1C03  }
0x45: {  	[timem:s3], [sflag:s2] =	dma.local @!p0 [hbm:s0], s1  }
0x46: {  	s0 =	simm.s32 @!p0 $0x3  }
0x47: {  	_ =	swait.ge @!p0 [sflag:s0], s1  }
0x48: {  	s1 =	ssub.s32 @!p0 $0x0, s1;
	[sflag:s0] =	ssyncset.done @!p0 $0x0  }
0x49: {  	[sflag:s0] =	ssyncadd.s32 @!p0 s1  }
0x4a: {  	[bflag:$0x3] =	sbarrier.arrive $0xFFFF  }
0x4b: {  	_ =	shalt  }

</sc_bundles>
